<compile_context>
chip_gen: v7x
topology: tpu7x:2x2x1
jax: 0.10.2.dev20260603
libtpu: 0.0.44.dev20260713+nightly
codegen_flags: <defaults>
</compile_context>

<pallas_src>
import functools

import jax
import jax.numpy as jnp
from jax import lax
from jax.experimental import pallas as pl
from jax.experimental.pallas import tpu as pltpu
from jax.experimental.pallas import tpu_sc as plsc

_VOCAB = 100000
_D = 128
_L = 200
_B = 4096
_H = 7
_HP = 8
_TOK = _B * _L
_NW = 32
_PER_W = _TOK // _NW
_CHUNK = 6400
_NCHUNK = _PER_W // _CHUNK


def _mm_body(emb_ref, w_ref, t_ref):
    t_ref[...] = jnp.dot(emb_ref[...], w_ref[...],
                         preferred_element_type=jnp.float32)


def _build_t(emb, w1r):
    mb = 1000
    return pl.pallas_call(
        _mm_body,
        grid=(_VOCAB // mb,),
        in_specs=[
            pl.BlockSpec((mb, _D), lambda i: (i, 0)),
            pl.BlockSpec((_D, _L * _HP), lambda i: (0, 0)),
        ],
        out_specs=pl.BlockSpec((mb, _L * _HP), lambda i: (i, 0)),
        out_shape=jax.ShapeDtypeStruct((_VOCAB, _L * _HP), jnp.float32),
    )(emb, w1r)


def _idx_body(x_ref, o_ref):
    o_ref[...] = x_ref[...] * _L + lax.broadcasted_iota(
        jnp.int32, (_B, _L), 1)


def _build_idx(x):
    return pl.pallas_call(
        _idx_body,
        out_shape=jax.ShapeDtypeStruct((_B, _L), jnp.int32),
    )(x)


def _sc_gather_body(t_hbm, idx_hbm, out_hbm, idx_v, rows_v, sem):
    wid = lax.axis_index("s") * 2 + lax.axis_index("c")

    def chunk(r, carry):
        base = wid * _PER_W + r * _CHUNK
        pltpu.sync_copy(idx_hbm.at[pl.ds(base, _CHUNK)], idx_v)
        pltpu.async_copy(t_hbm.at[idx_v], rows_v, sem).wait()
        pltpu.sync_copy(rows_v, out_hbm.at[pl.ds(base, _CHUNK)])
        return carry

    lax.fori_loop(0, _NCHUNK, chunk, 0)


_sc_gather = functools.partial(
    pl.kernel,
    out_type=jax.ShapeDtypeStruct((_TOK, _HP), jnp.float32),
    mesh=plsc.VectorSubcoreMesh(core_axis_name="c", subcore_axis_name="s"),
    scratch_types=[
        pltpu.VMEM((_CHUNK,), jnp.int32),
        pltpu.VMEM((_CHUNK, _HP), jnp.float32),
        pltpu.SemaphoreType.DMA,
    ],
    compiler_params=pltpu.CompilerParams(use_tc_tiling_on_sc=False),
)(_sc_gather_body)


def _red_body(h_ref, s_ref, b_ref, o_ref):
    acc = jnp.dot(h_ref[...], s_ref[...], preferred_element_type=jnp.float32)
    o_ref[...] = jax.nn.sigmoid(acc + b_ref[...])


def _reduce(h2, sel, b1row):
    bb = 512
    return pl.pallas_call(
        _red_body,
        grid=(_B // bb,),
        in_specs=[
            pl.BlockSpec((bb, _L * _HP), lambda i: (i, 0)),
            pl.BlockSpec((_L * _HP, _H), lambda i: (0, 0)),
            pl.BlockSpec((1, _H), lambda i: (0, 0)),
        ],
        out_specs=pl.BlockSpec((bb, _H), lambda i: (i, 0)),
        out_shape=jax.ShapeDtypeStruct((_B, _H), jnp.float32),
    )(h2, sel, b1row)


def kernel(x, emb, W1, b1):
    x = x.astype(jnp.int32)
    w1r = W1.reshape(_L, _D, _H).transpose(1, 0, 2)
    w1r = jnp.pad(w1r, ((0, 0), (0, 0), (0, _HP - _H)))
    w1r = w1r.reshape(_D, _L * _HP)

    t = _build_t(emb, w1r).reshape(_VOCAB * _L, _HP)
    idx = _build_idx(x).reshape(_TOK)
    rows = _sc_gather(t, idx)

    sel = jnp.tile(
        jnp.concatenate([jnp.eye(_H, dtype=jnp.float32),
                         jnp.zeros((_HP - _H, _H), jnp.float32)]), (_L, 1))
    return _reduce(rows.reshape(_B, _L * _HP), sel, b1.reshape(1, _H))

# --- scband reference (transcript-rebuilt; emitter-appended) ---
"""Pipeline reference for scband-sentiment-net-10943576670921 (READ-ONLY COPY).

The authoritative reference and input builder live on the scoring server;
editing this copy changes nothing except your own understanding.
"""

import jax, jax.numpy as jnp
import numpy as np

VOCAB = 100000
EMBED_DIM = 128
MAX_LEN = 200
BATCH = 4096
HIDDEN = 7


def setup_inputs(seed: int = 0) -> dict:
    key = jax.random.key(seed)
    k1, k2, k3, k4 = jax.random.split(key, 4)
    x = jax.random.randint(k1, (BATCH, MAX_LEN), 0, VOCAB, dtype=jnp.int64 if jax.config.jax_enable_x64 else jnp.int32)
    emb = jax.random.normal(k2, (VOCAB, EMBED_DIM), dtype=jnp.float32)
    # torch Linear default init: U(-1/sqrt(fan_in), 1/sqrt(fan_in))
    fan_in = MAX_LEN * EMBED_DIM
    bound = 1.0 / np.sqrt(fan_in)
    W1 = jax.random.uniform(k3, (fan_in, HIDDEN), minval=-bound, maxval=bound, dtype=jnp.float32)
    b1 = jax.random.uniform(k4, (HIDDEN,), minval=-bound, maxval=bound, dtype=jnp.float32)
    return {"x": x, "emb": emb, "W1": W1, "b1": b1}


def reference(x, emb, W1, b1):
    # nn.Embedding lookup -> gather rows
    h = jnp.take(emb, x, axis=0)              # [B, L, D]
    h = h.reshape(h.shape[0], -1)             # Flatten -> [B, L*D]
    out = jax.nn.sigmoid(h @ W1 + b1)         # fc1 + sigmoid -> [B, 7]
    return out

if __name__ == "__main__":
    import jax
    _d = setup_inputs()
    print(jax.jit(kernel)(*tuple(_d.values())))

</pallas_src>

<mosaic_0001>
#map = affine_map<(d0, d1) -> (0, 0)>
#map1 = affine_map<(d0, d1) -> (0)>
module attributes {stable_mosaic.version = 14 : i64} {
  func.func @_sc_gather_body(%arg0: i32, %arg1: i32, %arg2: memref<20000000x8xf32, #tpu.memory_space<hbm>>, %arg3: memref<819200xi32, #tpu.memory_space<hbm>>, %arg4: memref<819200x8xf32, #tpu.memory_space<hbm>>, %arg5: memref<6400xi32, #tpu.memory_space<vmem>>, %arg6: memref<6400x8xf32, #tpu.memory_space<vmem>>, %arg7: memref<!tpu.dma_semaphore, #tpu.memory_space<semaphore_mem>>) attributes {dimension_semantics = [#tpu.dimension_semantics<core_parallel>, #tpu.dimension_semantics<subcore_parallel>], iteration_bounds = array<i64: 2, 16>, scalar_prefetch = 0 : i64, scratch_operands = 3 : i64, tpu.core_type = #tpu.core_type<sc_vector_subcore>, window_params = [{transform_indices = #map}, {transform_indices = #map1}, {transform_indices = #map}]} {
    %mul3A = arith.constant 2 : i32
    %mul3A_0 = arith.muli %arg1, %mul3A : i32
    %add3A = arith.addi %mul3A_0, %arg0 : i32
    %scan3A = arith.constant 0 : i32
    %scan3A_1 = arith.constant 0 : i32
    %scan3A_2 = arith.constant 4 : i32
    %scan3A_3 = arith.addi %scan3A_1, %scan3A_2 : i32
    %scan3A_4 = arith.constant 1 : i32
    scf.for %scan3A_6 = %scan3A_1 to %scan3A_3 step %scan3A_4  : i32 {
      %mul3A_7 = arith.constant 25600 : i32
      %mul3A_8 = arith.muli %add3A, %mul3A_7 : i32
      %mul3A_9 = arith.constant 6400 : i32
      %mul3A_10 = arith.muli %scan3A_6, %mul3A_9 : i32
      %add3A_11 = arith.addi %mul3A_8, %mul3A_10 : i32
      "tpu.region"() ({
        %run_scoped3A = tpu.sem_alloc : memref<!tpu.dma_semaphore, #tpu.memory_space<semaphore_mem>>
        %dma_start3A_16 = tpu.memref_slice %arg3[%add3A_11] : memref<819200xi32, #tpu.memory_space<hbm>> -> memref<6400xi32, #tpu.memory_space<hbm>>
        %dma_start3A_17 = tpu.memref_slice %arg3[%add3A_11] : memref<819200xi32, #tpu.memory_space<hbm>> -> memref<6400xi32, #tpu.memory_space<hbm>>
        tpu.enqueue_dma source(%dma_start3A_17 : memref<6400xi32, #tpu.memory_space<hbm>>) target(%arg5 : memref<6400xi32, #tpu.memory_space<vmem>>) target_semaphore(%run_scoped3A : memref<!tpu.dma_semaphore, #tpu.memory_space<semaphore_mem>>)
        %dma_wait3A_18 = tpu.memref_slice %arg3[%add3A_11] : memref<819200xi32, #tpu.memory_space<hbm>> -> memref<6400xi32, #tpu.memory_space<hbm>>
        %dma_wait3A_19 = tpu.memref_slice %arg3[%add3A_11] : memref<819200xi32, #tpu.memory_space<hbm>> -> memref<6400xi32, #tpu.memory_space<hbm>>
        tpu.wait_dma2 semaphore(%run_scoped3A : memref<!tpu.dma_semaphore, #tpu.memory_space<semaphore_mem>>) src(%dma_wait3A_19 : memref<6400xi32, #tpu.memory_space<hbm>>) dst(%arg5 : memref<6400xi32, #tpu.memory_space<vmem>>)
        tpu.yield
      }) : () -> ()
      %dma_start3A = arith.constant 0 : i32
      %dma_start3A_12 = arith.constant 0 : i32
      %dma_start3A_13 = tpu.memref_slice %arg2[%dma_start3A, %dma_start3A_12] : memref<20000000x8xf32, #tpu.memory_space<hbm>> -> memref<20000000x8xf32, #tpu.memory_space<hbm>>
      tpu.enqueue_indirect_dma source(%dma_start3A_13 : memref<20000000x8xf32, #tpu.memory_space<hbm>>) target(%arg6 : memref<6400x8xf32, #tpu.memory_space<vmem>>) offsets(%arg5 : memref<6400xi32, #tpu.memory_space<vmem>>) semaphore(%arg7 : memref<!tpu.dma_semaphore, #tpu.memory_space<semaphore_mem>>)
      %dma_wait3A = arith.constant 0 : i32
      %dma_wait3A_14 = arith.constant 0 : i32
      %dma_wait3A_15 = tpu.memref_slice %arg2[%dma_wait3A, %dma_wait3A_14] : memref<20000000x8xf32, #tpu.memory_space<hbm>> -> memref<20000000x8xf32, #tpu.memory_space<hbm>>
      tpu.wait_indirect_dma semaphore(%arg7 : memref<!tpu.dma_semaphore, #tpu.memory_space<semaphore_mem>>) src(%dma_wait3A_15 : memref<20000000x8xf32, #tpu.memory_space<hbm>>) dst(%arg6 : memref<6400x8xf32, #tpu.memory_space<vmem>>)
      "tpu.region"() ({
        %run_scoped3A = tpu.sem_alloc : memref<!tpu.dma_semaphore, #tpu.memory_space<semaphore_mem>>
        %dma_start3A_16 = arith.constant 0 : i32
        %dma_start3A_17 = tpu.memref_slice %arg4[%add3A_11, %dma_start3A_16] : memref<819200x8xf32, #tpu.memory_space<hbm>> -> memref<6400x8xf32, #tpu.memory_space<hbm>>
        %dma_start3A_18 = arith.constant 0 : i32
        %dma_start3A_19 = tpu.memref_slice %arg4[%add3A_11, %dma_start3A_18] : memref<819200x8xf32, #tpu.memory_space<hbm>> -> memref<6400x8xf32, #tpu.memory_space<hbm>>
        tpu.enqueue_dma source(%arg6 : memref<6400x8xf32, #tpu.memory_space<vmem>>) target(%dma_start3A_19 : memref<6400x8xf32, #tpu.memory_space<hbm>>) target_semaphore(%run_scoped3A : memref<!tpu.dma_semaphore, #tpu.memory_space<semaphore_mem>>)
        %dma_wait3A_20 = arith.constant 0 : i32
        %dma_wait3A_21 = tpu.memref_slice %arg4[%add3A_11, %dma_wait3A_20] : memref<819200x8xf32, #tpu.memory_space<hbm>> -> memref<6400x8xf32, #tpu.memory_space<hbm>>
        %dma_wait3A_22 = arith.constant 0 : i32
        %dma_wait3A_23 = tpu.memref_slice %arg4[%add3A_11, %dma_wait3A_22] : memref<819200x8xf32, #tpu.memory_space<hbm>> -> memref<6400x8xf32, #tpu.memory_space<hbm>>
        tpu.wait_dma2 semaphore(%run_scoped3A : memref<!tpu.dma_semaphore, #tpu.memory_space<semaphore_mem>>) src(%arg6 : memref<6400x8xf32, #tpu.memory_space<vmem>>) dst(%dma_wait3A_23 : memref<6400x8xf32, #tpu.memory_space<hbm>>)
        tpu.yield
      }) : () -> ()
    }
    %scan3A_5 = arith.constant 4 : i32
    return
  }
}

module attributes {stable_mosaic.version = 14 : i64} {
  func.func @_mm_body(%arg0: i32, %arg1: memref<1000x128xf32, #tpu.memory_space<vmem>>, %arg2: memref<128x1600xf32, #tpu.memory_space<vmem>>, %arg3: memref<1000x1600xf32, #tpu.memory_space<vmem>>) attributes {dimension_semantics = [#tpu.dimension_semantics<arbitrary>], iteration_bounds = array<i64: 100>, scalar_prefetch = 0 : i64, scratch_operands = 0 : i64, tpu.core_type = #tpu.core_type<tc>, window_params = [{transform_indices = @transform_0, window_bounds = array<i64: 1000, 128>}, {pipeline_mode = #tpu.pipeline_mode<synchronous>, transform_indices = @transform_1, window_bounds = array<i64: 128, 1600>}, {transform_indices = @transform_2, window_bounds = array<i64: 1000, 1600>}]} {
    %get3A = arith.constant 0 : index
    %get3A_0 = arith.constant 0 : index
    %get3A_1 = vector.load %arg1[%get3A, %get3A_0] : memref<1000x128xf32, #tpu.memory_space<vmem>>, vector<1000x128xf32>
    %get3A_2 = arith.constant 0 : index
    %get3A_3 = arith.constant 0 : index
    %get3A_4 = vector.load %arg2[%get3A_2, %get3A_3] : memref<128x1600xf32, #tpu.memory_space<vmem>>, vector<128x1600xf32>
    %dot_general3A = arith.constant dense<0.000000e+00> : vector<1000x1600xf32>
    %dot_general3A_5 = tpu.matmul %get3A_1, %get3A_4, %dot_general3A {dimension_numbers = #tpu.dot_dimension_numbers<[1], [0], [0], [1], [0, 0, 1, 1], [], []>, transpose_lhs_hint = false} : vector<1000x128xf32>, vector<128x1600xf32>, vector<1000x1600xf32> -> vector<1000x1600xf32>
    %swap3A = arith.constant 0 : index
    %swap3A_6 = arith.constant 0 : index
    %swap3A_7 = vector.load %arg3[%swap3A, %swap3A_6] : memref<1000x1600xf32, #tpu.memory_space<vmem>>, vector<1000x1600xf32>
    tpu.vector_store %arg3[%swap3A, %swap3A_6], %dot_general3A_5 {strides = array<i32>} : memref<1000x1600xf32, #tpu.memory_space<vmem>>, vector<1000x1600xf32>,
    return
  }
  func.func @transform_0(%arg0: i32) -> (i32, i32) {
    %c0_i32 = arith.constant 0 : i32
    %c0_i32_0 = arith.constant 0 : i32
    return %arg0, %c0_i32 : i32, i32
  }
  func.func @transform_1(%arg0: i32) -> (i32, i32) {
    %c0_i32 = arith.constant 0 : i32
    %c0_i32_0 = arith.constant 0 : i32
    %c0_i32_1 = arith.constant 0 : i32
    return %c0_i32, %c0_i32_0 : i32, i32
  }
  func.func @transform_2(%arg0: i32) -> (i32, i32) {
    %c0_i32 = arith.constant 0 : i32
    %c0_i32_0 = arith.constant 0 : i32
    return %arg0, %c0_i32 : i32, i32
  }
}

module attributes {stable_mosaic.version = 14 : i64} {
  func.func @_idx_body(%arg0: memref<4096x200xi32, #tpu.memory_space<vmem>>, %arg1: memref<4096x200xi32, #tpu.memory_space<vmem>>) attributes {dimension_semantics = [], scalar_prefetch = 0 : i64, scratch_operands = 0 : i64, tpu.core_type = #tpu.core_type<tc>} {
    %get3A = arith.constant 0 : index
    %get3A_0 = arith.constant 0 : index
    %get3A_1 = vector.load %arg0[%get3A, %get3A_0] : memref<4096x200xi32, #tpu.memory_space<vmem>>, vector<4096x200xi32>
    %mul3A = arith.constant 200 : i32
    %mul3A_2 = vector.broadcast %mul3A : i32 to vector<4096x200xi32>
    %mul3A_3 = arith.muli %get3A_1, %mul3A_2 : vector<4096x200xi32>
    %iota3A = tpu.iota {dimensions = array<i32: 1>} : vector<4096x200xi32>
    %add3A = arith.addi %mul3A_3, %iota3A : vector<4096x200xi32>
    %swap3A = arith.constant 0 : index
    %swap3A_4 = arith.constant 0 : index
    %swap3A_5 = vector.load %arg1[%swap3A, %swap3A_4] : memref<4096x200xi32, #tpu.memory_space<vmem>>, vector<4096x200xi32>
    tpu.vector_store %arg1[%swap3A, %swap3A_4], %add3A {strides = array<i32>} : memref<4096x200xi32, #tpu.memory_space<vmem>>, vector<4096x200xi32>,
    return
  }
}

module attributes {stable_mosaic.version = 14 : i64} {
  func.func @_red_body(%arg0: i32, %arg1: memref<512x1600xf32, #tpu.memory_space<vmem>>, %arg2: memref<1600x7xf32, #tpu.memory_space<vmem>>, %arg3: memref<1x7xf32, #tpu.memory_space<vmem>>, %arg4: memref<512x7xf32, #tpu.memory_space<vmem>>) attributes {dimension_semantics = [#tpu.dimension_semantics<arbitrary>], iteration_bounds = array<i64: 8>, scalar_prefetch = 0 : i64, scratch_operands = 0 : i64, tpu.core_type = #tpu.core_type<tc>, window_params = [{transform_indices = @transform_0, window_bounds = array<i64: 512, 1600>}, {pipeline_mode = #tpu.pipeline_mode<synchronous>, transform_indices = @transform_1, window_bounds = array<i64: 1600, 7>}, {pipeline_mode = #tpu.pipeline_mode<synchronous>, transform_indices = @transform_2, window_bounds = array<i64: 1, 7>}, {transform_indices = @transform_3, window_bounds = array<i64: 512, 7>}]} {
    %get3A = arith.constant 0 : index
    %get3A_0 = arith.constant 0 : index
    %get3A_1 = vector.load %arg1[%get3A, %get3A_0] : memref<512x1600xf32, #tpu.memory_space<vmem>>, vector<512x1600xf32>
    %get3A_2 = arith.constant 0 : index
    %get3A_3 = arith.constant 0 : index
    %get3A_4 = vector.load %arg2[%get3A_2, %get3A_3] : memref<1600x7xf32, #tpu.memory_space<vmem>>, vector<1600x7xf32>
    %dot_general3A = arith.constant dense<0.000000e+00> : vector<512x7xf32>
    %dot_general3A_5 = tpu.matmul %get3A_1, %get3A_4, %dot_general3A {dimension_numbers = #tpu.dot_dimension_numbers<[1], [0], [0], [1], [0, 0, 1, 1], [], []>, transpose_lhs_hint = false} : vector<512x1600xf32>, vector<1600x7xf32>, vector<512x7xf32> -> vector<512x7xf32>
    %get3A_6 = arith.constant 0 : index
    %get3A_7 = arith.constant 0 : index
    %get3A_8 = vector.load %arg3[%get3A_6, %get3A_7] : memref<1x7xf32, #tpu.memory_space<vmem>>, vector<1x7xf32>
    %add3A = vector.broadcast %get3A_8 : vector<1x7xf32> to vector<512x7xf32>
    %add3A_9 = arith.addf %dot_general3A_5, %add3A : vector<512x7xf32>
    %logistic3A = arith.negf %add3A_9 : vector<512x7xf32>
    %logistic3A_10 = math.exp %logistic3A : vector<512x7xf32>
    %logistic3A_11 = arith.constant 1.000000e+00 : f32
    %logistic3A_12 = vector.broadcast %logistic3A_11 : f32 to vector<512x7xf32>
    %logistic3A_13 = arith.addf %logistic3A_12, %logistic3A_10 : vector<512x7xf32>
    %logistic3A_14 = arith.divf %logistic3A_12, %logistic3A_13 : vector<512x7xf32>
    %swap3A = arith.constant 0 : index
    %swap3A_15 = arith.constant 0 : index
    %swap3A_16 = vector.load %arg4[%swap3A, %swap3A_15] : memref<512x7xf32, #tpu.memory_space<vmem>>, vector<512x7xf32>
    tpu.vector_store %arg4[%swap3A, %swap3A_15], %logistic3A_14 {strides = array<i32>} : memref<512x7xf32, #tpu.memory_space<vmem>>, vector<512x7xf32>,
    return
  }
  func.func @transform_0(%arg0: i32) -> (i32, i32) {
    %c0_i32 = arith.constant 0 : i32
    %c0_i32_0 = arith.constant 0 : i32
    return %arg0, %c0_i32 : i32, i32
  }
  func.func @transform_1(%arg0: i32) -> (i32, i32) {
    %c0_i32 = arith.constant 0 : i32
    %c0_i32_0 = arith.constant 0 : i32
    %c0_i32_1 = arith.constant 0 : i32
    return %c0_i32, %c0_i32_0 : i32, i32
  }
  func.func @transform_2(%arg0: i32) -> (i32, i32) {
    %c0_i32 = arith.constant 0 : i32
    %c0_i32_0 = arith.constant 0 : i32
    %c0_i32_1 = arith.constant 0 : i32
    return %c0_i32, %c0_i32_0 : i32, i32
  }
  func.func @transform_3(%arg0: i32) -> (i32, i32) {
    %c0_i32 = arith.constant 0 : i32
    %c0_i32_0 = arith.constant 0 : i32
    return %arg0, %c0_i32 : i32, i32
  }
}

</mosaic_0001>

<sc_bundles>
// kernel: kernel.6.cloned.1.call-start
scs
__scs_entry_jumppad:
0x0: {  	(pc) =	sbr.rel $0x88, $3  }
0x1: {  	(tag) =	ssettag $0x0;
	lr =	simm.s32 $0x1  }
0x2: {  	[smem:$0x3F9D] =	sst lr;
	_ =	strace $0xD0000000  }
0x3: {  	_ = 	snop  }
0x4: {  	_ = 	snop  }
0x5: {  	_ = 	snop  }
0x6: {  	_ = 	snop  }
0x7: {  	_ = 	snop  }
__scs_overlays_trampoline_lowered:
0x8: {  	[smem:$0x3FAC] =	sst s0  }
0x9: {  	[smem:$0x3FAD] =	sst s1  }
0xa: {  	[smem:$0x3FAE] =	sst s2  }
0xb: {  	[smem:$0x3FAF] =	sst s3  }
0xc: {  	[smem:$0x3FB0] =	sst s4  }
0xd: {  	[smem:$0x3FB1] =	sst s5  }
0xe: {  	[smem:$0x3FB2] =	sst s6  }
0xf: {  	[smem:$0x3FB3] =	sst s7  }
0x10: {  	[smem:$0x3FB4] =	sst s8  }
0x11: {  	[smem:$0x3FB5] =	sst s9;
	s0 =	simm.s32 @!p0 $0x0  }
0x12: {  	s1 =	sld [smem:$0x3F9B];
	s0 =	simm.s32 @p0 $0x1  }
0x13: {  	[smem:$0x3FB6] =	sst s0;
	s0 =	simm.s32 @!p1 $0x0  }
0x14: {  	s2 =	sld [smem:$0x3F9A];
	s0 =	simm.s32 @p1 $0x1  }
0x15: {  	[smem:$0x3FB7] =	sst s0;
	s0 =	simm.s32 @!p2 $0x0  }
0x16: {  	s3 =	sld [smem:$0x3FDB];
	s0 =	simm.s32 @p2 $0x1  }
0x17: {  	s4 =	simm.s32 $0x1BF5;
	[smem:$0x3FB9] =	sst s0  }
0x18: {  	s0 =	sld [smem:$0x3F9C];
	_ =	swait.ge [sflag:s4], $0x0  }
0x19: {  	s7 =	sld [smem:$0x3F9D]  }
0x1a: {  	s8 =	sadd.s32 $0xFFFFE003, lr  }
0x1b: {  	s9 =	sadd.s32 $0xFFFFFEF7, lr;
	s5 =	simm.s32 $0xFFFFFFFF;
	p2 =	slt.u32 s8, $0xFFFFF086  }
0x1c: {  	p1 =	slt.u32 s9, $0xF7A;
	s5 =	simm.s32 @!p2 $0x0  }
0x1d: {  	s5 =	simm.s32 @p1 $0x1;
	p0 =	seq.s32 s7, s2  }
0x1e: {  	s7 =	smul.u32 @!p0 $0xF7A, s2;
	p2 =	seq.s32 @!p0 s5, $0x0  }
0x1f: {  	s9 =	smul.u32 $0xF7A, s1;
	s8 =	simm.s32 @!p0 $0x1BF5;
	p2 =	por !p2, p0  }
0x20: {  	[sflag:s8] =	ssyncset.s32 @!p0 $0xFFFFF086;
	s6 =	sadd.s32 @!p0 s3, s7;
	s7 =	simm.s32 @!p0 $0x108  }
0x21: {  	s3 =	sadd.s32 s3, s9;
	s6 =	sadd.s32 @!p0 $0x88, s6;
	s7 =	simm.s32 @p2 $0x1082  }
0x22: {  	[simem:s7], [sflag:s8] =	dma.local @!p0 [hbm:s6], $0xF7A  }
0x23: {  	s9 =	sor.u32 $0xD0000000, s2;
	s6 =	simm.s32 $0x108;
	_ =	swait.ge @!p0 [sflag:s8], $0x0  }
0x24: {  	s3 =	sadd.s32 $0x88, s3;
	s6 =	simm.s32 @!p1 $0x1082;
	[sflag:s4] =	ssyncset.s32 $0xFFFFF086  }
0x25: {  	[simem:s6], [sflag:s4] =	dma.local [hbm:s3], $0xF7A  }
0x26: {  	[smem:$0x3F9D] =	sst s1;
	(tag) =	ssettag s2;
	_ =	strace s9  }
0x27: {  	s1 =	sld [smem:$0x3FAD]  }
0x28: {  	s2 =	sld [smem:$0x3FAE]  }
0x29: {  	s4 =	sld [smem:$0x3FB0]  }
0x2a: {  	p0 =	seq.s32 s5, $0x0;
	s5 =	sld [smem:$0x3FB1]  }
0x2b: {  	s6 =	sld [smem:$0x3FB2]  }
0x2c: {  	s7 =	sld [smem:$0x3FB3]  }
0x2d: {  	s3 =	simm.s32 $0x108;
	s8 =	sld [smem:$0x3FB4]  }
0x2e: {  	s3 =	simm.s32 @!p0 $0x1082;
	s9 =	sld [smem:$0x3FB5]  }
0x2f: {  	lr =	sadd.s32 s0, s3;
	s0 =	sld [smem:$0x3FAC]  }
0x30: {  	s3 =	sld [smem:$0x3FAF]  }
0x31: {  	[smem:$0x3FB8] =	sst s10  }
0x32: {  	s10 =	sld [smem:$0x3FB6];
	_ =	sdelay $0x3  }
0x33: {  	p0 =	seq.s32 s10, $0x1;
	s10 =	sld [smem:$0x3FB8];
	_ =	sdelay $0x3  }
0x34: {  	[smem:$0x3FB8] =	sst s10  }
0x35: {  	s10 =	sld [smem:$0x3FB7];
	_ =	sdelay $0x3  }
0x36: {  	p1 =	seq.s32 s10, $0x1;
	s10 =	sld [smem:$0x3FB8];
	_ =	sdelay $0x3  }
0x37: {  	[smem:$0x3FB8] =	sst s10  }
0x38: {  	s10 =	sld [smem:$0x3FB9]  }
0x39: {  	_ = 	snop;
	(pc) =	sbr.ind lr, $3  }
0x3a: {  	_ = 	snop  }
0x3b: {  	_ = 	snop  }
0x3c: {  	p2 =	seq.s32 s10, $0x1;
	s10 =	sld [smem:$0x3FB8]  }
0x3d: {  	_ =	shalt  }
0x3e: {  	_ =	shalt  }
0x3f: {  	_ =	shalt  }
0x40: {  	_ =	shalt  }
0x41: {  	_ =	shalt  }
0x42: {  	_ =	shalt  }
0x43: {  	_ =	shalt  }
0x44: {  	_ =	shalt  }
0x45: {  	_ =	shalt  }
0x46: {  	_ =	shalt  }
0x47: {  	_ =	shalt  }
0x48: {  	_ =	shalt  }
0x49: {  	_ =	shalt  }
0x4a: {  	_ =	shalt  }
0x4b: {  	_ =	shalt  }
0x4c: {  	_ =	shalt  }
0x4d: {  	_ =	shalt  }
0x4e: {  	_ =	shalt  }
0x4f: {  	_ =	shalt  }
0x50: {  	_ =	shalt  }
0x51: {  	_ =	shalt  }
0x52: {  	_ =	shalt  }
0x53: {  	_ =	shalt  }
0x54: {  	_ =	shalt  }
0x55: {  	_ =	shalt  }
0x56: {  	_ =	shalt  }
0x57: {  	_ =	shalt  }
0x58: {  	_ =	shalt  }
0x59: {  	_ =	shalt  }
0x5a: {  	_ =	shalt  }
0x5b: {  	_ =	shalt  }
0x5c: {  	_ =	shalt  }
0x5d: {  	_ =	shalt  }
0x5e: {  	_ =	shalt  }
0x5f: {  	_ =	shalt  }
0x60: {  	_ =	shalt  }
0x61: {  	_ =	shalt  }
0x62: {  	_ =	shalt  }
0x63: {  	_ =	shalt  }
0x64: {  	_ =	shalt  }
0x65: {  	_ =	shalt  }
0x66: {  	_ =	shalt  }
0x67: {  	_ =	shalt  }
0x68: {  	_ =	shalt  }
0x69: {  	_ =	shalt  }
0x6a: {  	_ =	shalt  }
0x6b: {  	_ =	shalt  }
0x6c: {  	_ =	shalt  }
0x6d: {  	_ =	shalt  }
0x6e: {  	_ =	shalt  }
0x6f: {  	_ =	shalt  }
0x70: {  	_ =	shalt  }
0x71: {  	_ =	shalt  }
0x72: {  	_ =	shalt  }
0x73: {  	_ =	shalt  }
0x74: {  	_ =	shalt  }
0x75: {  	_ =	shalt  }
0x76: {  	_ =	shalt  }
0x77: {  	_ =	shalt  }
0x78: {  	_ =	shalt  }
0x79: {  	_ =	shalt  }
0x7a: {  	_ =	shalt  }
0x7b: {  	_ =	shalt  }
0x7c: {  	_ =	shalt  }
0x7d: {  	_ =	shalt  }
0x7e: {  	_ =	shalt  }
0x7f: {  	_ =	shalt  }
0x80: {  	_ =	shalt  }
0x81: {  	_ =	shalt  }
0x82: {  	_ =	shalt  }
0x83: {  	_ =	shalt  }
0x84: {  	_ =	shalt  }
0x85: {  	_ =	shalt  }
0x86: {  	_ =	shalt  }
0x87: {  	_ =	shalt  }
.Lfunc_end0:
.L_simem_size_0:
called_computation_lowered:
.L_overlay_start_0:
0x88: {  	s2 =	sld [smem:$0x3FD9]  }
0x89: {  	s3 =	sld [smem:$0x3FFE];
	_ =	sdelay $0x1  }
0x8a: {  	s1 =	srdreg.scid  }
0x8b: {  	s0 =	sand.u32 $0x1, s1  }
0x8c: {  	s16 =	sshll.u32 s0, $0xA;
	s2 =	sadd.s32 s3, s2  }
0x8d: {  	s2 =	sadd.s32 s2, s16  }
0x8e: {  	[smem:$0x3FC4] =	sst s2  }
0x8f: {  	_ = 	snop  }
0x90: {  	(tm) =	ssettm $0x1  }
0x91: {  	s17 =	sld [smem:$0x3FFB];
	_ =	sdelay $0x3  }
0x92: {  	_ =	strace s17  }
0x93: {  	s2 =	sld [smem:$0x3FFC];
	_ =	sdelay $0x3  }
0x94: {  	_ =	strace s2  }
0x95: {  	s2 =	sld [smem:$0x3FFD];
	_ =	sdelay $0x3  }
0x96: {  	_ =	strace s2  }
0x97: {  	_ =	strace $0x8FFFFFFF  }
0x98: {  	s18 =	sld [smem:$0x3FDB];
	_ =	sdelay $0x1  }
0x99: {  	s19 =	simm.s32 $_scs_section_size  }
0x9a: {  	s4 =	simm.s32 $_size__tile_overlayer_lowered;
	s5 =	simm.s32 $_tile_overlayer_lowered  }
0x9b: {  	s22 =	simm.s32 $0x1BFF;
	s21 =	sshll.u32 s5, $0x1;
	s2 =	sadd.s32 s19, s18  }
0x9c: {  	s6 =	simm.s32 $0x0;
	s20 =	sshll.u32 s4, $0x1;
	s4 =	sadd.s32 s21, s2  }
0x9d: {  	[timem:s6], [sflag:s22] =	dma.local [hbm:s4], s20  }
0x9e: {  	_ =	swait.ge [sflag:s22], s20  }
0x9f: {  	s3 =	ssub.s32 $0x0, s20;
	[sflag:s22] =	ssyncset.done $0x0  }
0xa0: {  	[sflag:s22] =	ssyncadd.s32 s3;
	_ =	sdelay $0x1  }
0xa1: {  	s23 =	simm.s32 $0x1B8B  }
0xa2: {  	_ =	swait.ge [sflag:s23], $0x1  }
0xa3: {  	[sflag:s23] =	ssyncset.done $0x0  }
0xa4: {  	s25 =	simm.s32 $0x1B8E;
	s24 =	sld [smem:$0x3FFE];
	[sflag:s23] =	ssyncadd.s32 $0xFFFFFFFF  }
0xa5: {  	s26 =	simm.s32 $execute0_lowered;
	[smem:$0x3FD2] =	sst s25  }
0xa6: {  	s4 =	sshll.u32 s26, $0x1;
	_ =	strace $0x80000046;
	[dreg:$0x1] =	wrdreg $0xFFFFFFFF  }
0xa7: {  	s28 =	simm.s32 $_size_execute0_lowered;
	s2 =	sadd.s32 s2, s4;
	[dreg:$0x0] =	wrdreg $0x0  }
0xa8: {  	s4 =	sshll.u32 s28, $0x1;
	[dreg:$0x2] =	wrdreg s2  }
0xa9: {  	[dreg:$0x3] =	wrdreg s4  }
0xaa: {  	[dreg:$0x4] =	wrdreg $0xC0  }
0xab: {  	_ =	task [dreg:s6], $0x5FFFF  }
0xac: {  	[dreg:$0x1] =	wrdreg $0xFFFFFFFF  }
0xad: {  	[dreg:$0x0] =	wrdreg $0x60  }
0xae: {  	[dreg:$0x2] =	wrdreg s24  }
0xaf: {  	[dreg:$0x3] =	wrdreg $0x9  }
0xb0: {  	_ =	task.clear_ibuf [dreg:s6], $0x4FFFF;
	_ =	strace $0x90000046  }
0xb1: {  	s29 =	simm.s32 $0x9;
	_ =	strace $0x80000048  }
0xb2: {  	_ =	swait.ge [sflag:s29], $0x1  }
0xb3: {  	[sflag:s29] =	ssyncadd.s32 $0xFFFFFFFF  }
0xb4: {  	_ =	strace $0x90000048  }
0xb5: {  	_ =	sfence  }
0xb6: {  	s30 =	sld [smem:$0x0];
	_ =	sdelay $0x2  }
0xb7: {  	s31 =	sshll.u32 s1, $0xD;
	s1 =	sshrl.u32 s1, $0x2  }
0xb8: {  	s3 =	sand.u32 $0x4000, s31;
	s1 =	sadd.s32 s1, s30  }
0xb9: {  	s0 =	sor.u32 s3, s0;
	s1 =	sshll.u32 s1, $0x11  }
0xba: {  	s0 =	sor.u32 s1, s0  }
0xbb: {  	s0 =	sadd.s32 $0x8F2B, s0  }
0xbc: {  	[sflag:s0] =	ssyncadd.remote.s32 $0x1  }
0xbd: {  	_ =	sfence.sel $0xFFFF  }
0xbe: {  	[dreg:$0x0] =	wrdreg $0xFFFFFFFF;
	(pc) =	sbr.abs _section_cstart, $3  }
0xbf: {  	[dreg:$0x1] =	wrdreg $0xFFFFFFFF  }
0xc0: {  	_ =	task.clear_ibuf [dreg:s6], $0x2FFFF;
	_ =	strace $0x9FFFFFFF  }
0xc1: {  	(tm) =	ssettm $0x7FFFFFFF  }
tec
execute0_lowered:
.L_overlay_start_1:
0x0: {  	(tag) =	ssettag $0x1  }
0x1: {  	s1 =	srdreg.scid;
	s0 =	stileid.u32  }
0x2: {  	s14 =	sand.u32 $0x1, s1;
	s30 =	sshll.u32 s0, $0x1  }
0x3: {  	s1 =	sor.u32 s14, s30  }
0x4: {  	s8 =	rddreg [dreg:$0x0];
	s2 =	simm.s32 $0x0;
	s13 =	smul.u32 $0x6400, s1  }
0x5: {  	[smem:$0x7FF] =	sst s2  }
0x6: {  	s15 =	sadd.s32 $0x800, s8;
	s1 =	rddreg [dreg:$0x1];
	s3 =	sshrl.u32 s13, $0x3  }
0x7: {  	_ =	strace $0x80000047;
	s4 =	sadd.s32 s15, s3;
	s3 =	simm.s32 $0x2  }
0x8: {  	[tilespmem:s2], [sflag:$0x2] =	stream.linear.gather [hbm4b:s4+s2], $0x1900, $0x38;
	[tilespmem:$0xE100] =	vst v63  }
0x9: {  	_ =	swait.ge [sflag:s3], $0x1900  }
0xa: {  	s6 =	simm.s32 $0x1900;
	[sflag:s3] =	ssyncset.done $0x0  }
0xb: {  	s7 =	simm.s32 $0x1;
	s5 =	sadd.s32 $0x13D6A00, s8;
	[sflag:s3] =	ssyncadd.s32 $0xFFFFE700  }
0xc: {  	[tilespmem:s6], [sflag:$0x1] =	stream.indirect.gather [hbm4b:s5+s6], $0x8, s2, s6, $0xb8;
	[tilespmem:$0xE100] =	vst v63  }
0xd: {  	_ =	swait.ge [sflag:s7], $0xC800  }
0xe: {  	s16 =	sadd.s32 $0x19800, s8;
	[sflag:s7] =	ssyncset.done $0x0  }
0xf: {  	s8 =	sadd.s32 s16, s13;
	[sflag:s7] =	ssyncadd.s32 $0xFFFF3800  }
0x10: {  	[hbm4b:s8+s2] =	stream.linear.scatter [tilespmem:s6], [sflag:$0x2], $0xC800, $0x38;
	[tilespmem:$0xE100] =	vst v63  }
0x11: {  	s10 =	sadd.s32 $0x1900, s13;
	_ =	swait.ge [sflag:s3], $0xC800  }
0x12: {  	s9 =	sshrl.u32 s10, $0x3;
	[sflag:s3] =	ssyncset.done $0x0  }
0x13: {  	s9 =	sadd.s32 s15, s9;
	[sflag:s3] =	ssyncadd.s32 $0xFFFF3800  }
0x14: {  	[tilespmem:s2], [sflag:$0x2] =	stream.linear.gather [hbm4b:s9+s2], $0x1900, $0x38;
	[tilespmem:$0xE100] =	vst v63  }
0x15: {  	_ =	swait.ge [sflag:s3], $0x1900  }
0x16: {  	[sflag:s3] =	ssyncset.done $0x0  }
0x17: {  	[sflag:s3] =	ssyncadd.s32 $0xFFFFE700  }
0x18: {  	[tilespmem:s6], [sflag:$0x1] =	stream.indirect.gather [hbm4b:s5+s6], $0x8, s2, s6, $0xb8;
	[tilespmem:$0xE100] =	vst v63  }
0x19: {  	_ =	swait.ge [sflag:s7], $0xC800  }
0x1a: {  	[sflag:s7] =	ssyncset.done $0x0  }
0x1b: {  	s10 =	sadd.s32 s16, s10;
	[sflag:s7] =	ssyncadd.s32 $0xFFFF3800  }
0x1c: {  	[hbm4b:s10+s2] =	stream.linear.scatter [tilespmem:s6], [sflag:$0x2], $0xC800, $0x38;
	[tilespmem:$0xE100] =	vst v63  }
0x1d: {  	s12 =	sadd.s32 $0x3200, s13;
	_ =	swait.ge [sflag:s3], $0xC800  }
0x1e: {  	s11 =	sshrl.u32 s12, $0x3;
	[sflag:s3] =	ssyncset.done $0x0  }
0x1f: {  	s11 =	sadd.s32 s15, s11;
	[sflag:s3] =	ssyncadd.s32 $0xFFFF3800  }
0x20: {  	[tilespmem:s2], [sflag:$0x2] =	stream.linear.gather [hbm4b:s11+s2], $0x1900, $0x38;
	[tilespmem:$0xE100] =	vst v63  }
0x21: {  	_ =	swait.ge [sflag:s3], $0x1900  }
0x22: {  	[sflag:s3] =	ssyncset.done $0x0  }
0x23: {  	[sflag:s3] =	ssyncadd.s32 $0xFFFFE700  }
0x24: {  	[tilespmem:s6], [sflag:$0x1] =	stream.indirect.gather [hbm4b:s5+s6], $0x8, s2, s6, $0xb8;
	[tilespmem:$0xE100] =	vst v63  }
0x25: {  	_ =	swait.ge [sflag:s7], $0xC800  }
0x26: {  	[sflag:s7] =	ssyncset.done $0x0  }
0x27: {  	s12 =	sadd.s32 s16, s12;
	[sflag:s7] =	ssyncadd.s32 $0xFFFF3800  }
0x28: {  	[hbm4b:s12+s2] =	stream.linear.scatter [tilespmem:s6], [sflag:$0x2], $0xC800, $0x38;
	[tilespmem:$0xE100] =	vst v63  }
0x29: {  	s17 =	sadd.s32 $0x4B00, s13;
	_ =	swait.ge [sflag:s3], $0xC800  }
0x2a: {  	s13 =	sshrl.u32 s17, $0x3;
	[sflag:s3] =	ssyncset.done $0x0  }
0x2b: {  	s14 =	ssub.s32 $0x2, s14;
	s13 =	sadd.s32 s15, s13;
	[sflag:s3] =	ssyncadd.s32 $0xFFFF3800  }
0x2c: {  	[tilespmem:s2], [sflag:$0x2] =	stream.linear.gather [hbm4b:s13+s2], $0x1900, $0x38;
	[tilespmem:$0xE100] =	vst v63  }
0x2d: {  	s31 =	sshrl.u32 s14, $0x1;
	_ =	swait.ge [sflag:s3], $0x1900  }
0x2e: {  	s15 =	ssub.s32 s14, s31;
	[sflag:s3] =	ssyncset.done $0x0  }
0x2f: {  	s15 =	smax.u32 s15, $0x1;
	[sflag:s3] =	ssyncadd.s32 $0xFFFFE700  }
0x30: {  	[tilespmem:s6], [sflag:$0x1] =	stream.indirect.gather [hbm4b:s5+s6], $0x8, s2, s6, $0xb8;
	[tilespmem:$0xE100] =	vst v63  }
0x31: {  	p0 =	sne.s32 s15, $0x1;
	_ =	swait.ge [sflag:s7], $0xC800  }
.Ltmp0:
0x32: {  	[sflag:s7] =	ssyncset.done $0x0;
	(pc) =	sbr.rel @!p0 .LBB2_2-.Ltmp0, $4  }
0x33: {  	s14 =	sadd.s32 s16, s17;
	[sflag:s7] =	ssyncadd.s32 $0xFFFF3800  }
0x34: {  	[hbm4b:s14+s2] =	stream.linear.scatter [tilespmem:s6], [sflag:$0x2], $0xC800, $0x38;
	[tilespmem:$0xE100] =	vst v63  }
0x35: {  	_ =	swait.ge [sflag:s3], $0xC800  }
0x36: {  	s15 =	sadd.s32 $0xFFFFFFFF, s15;
	[sflag:s3] =	ssyncset.done $0x0  }
.LBB2_1:
0x37: {  	p0 =	sne.s32 s15, $0x1;
	s15 =	sadd.s32 $0xFFFFFFFF, s15;
	[sflag:s3] =	ssyncadd.s32 $0xFFFF3800  }
0x38: {  	[tilespmem:s2], [sflag:$0x2] =	stream.linear.gather [hbm4b:s4+s2], $0x1900, $0x38;
	[tilespmem:$0xE100] =	vst v63  }
0x39: {  	_ =	swait.ge [sflag:s3], $0x1900  }
0x3a: {  	[sflag:s3] =	ssyncset.done $0x0  }
0x3b: {  	[sflag:s3] =	ssyncadd.s32 $0xFFFFE700  }
0x3c: {  	[tilespmem:s6], [sflag:$0x1] =	stream.indirect.gather [hbm4b:s5+s6], $0x8, s2, s6, $0xb8;
	[tilespmem:$0xE100] =	vst v63  }
0x3d: {  	_ =	swait.ge [sflag:s7], $0xC800  }
0x3e: {  	[sflag:s7] =	ssyncset.done $0x0  }
0x3f: {  	[sflag:s7] =	ssyncadd.s32 $0xFFFF3800  }
0x40: {  	[hbm4b:s8+s2] =	stream.linear.scatter [tilespmem:s6], [sflag:$0x2], $0xC800, $0x38;
	[tilespmem:$0xE100] =	vst v63  }
0x41: {  	_ =	swait.ge [sflag:s3], $0xC800  }
0x42: {  	[sflag:s3] =	ssyncset.done $0x0  }
0x43: {  	[sflag:s3] =	ssyncadd.s32 $0xFFFF3800  }
0x44: {  	[tilespmem:s2], [sflag:$0x2] =	stream.linear.gather [hbm4b:s9+s2], $0x1900, $0x38;
	[tilespmem:$0xE100] =	vst v63  }
0x45: {  	_ =	swait.ge [sflag:s3], $0x1900  }
0x46: {  	[sflag:s3] =	ssyncset.done $0x0  }
0x47: {  	[sflag:s3] =	ssyncadd.s32 $0xFFFFE700  }
0x48: {  	[tilespmem:s6], [sflag:$0x1] =	stream.indirect.gather [hbm4b:s5+s6], $0x8, s2, s6, $0xb8;
	[tilespmem:$0xE100] =	vst v63  }
0x49: {  	_ =	swait.ge [sflag:s7], $0xC800  }
0x4a: {  	[sflag:s7] =	ssyncset.done $0x0  }
0x4b: {  	[sflag:s7] =	ssyncadd.s32 $0xFFFF3800  }
0x4c: {  	[hbm4b:s10+s2] =	stream.linear.scatter [tilespmem:s6], [sflag:$0x2], $0xC800, $0x38;
	[tilespmem:$0xE100] =	vst v63  }
0x4d: {  	_ =	swait.ge [sflag:s3], $0xC800  }
0x4e: {  	[sflag:s3] =	ssyncset.done $0x0  }
0x4f: {  	[sflag:s3] =	ssyncadd.s32 $0xFFFF3800  }
0x50: {  	[tilespmem:s2], [sflag:$0x2] =	stream.linear.gather [hbm4b:s11+s2], $0x1900, $0x38;
	[tilespmem:$0xE100] =	vst v63  }
0x51: {  	_ =	swait.ge [sflag:s3], $0x1900  }
0x52: {  	[sflag:s3] =	ssyncset.done $0x0  }
0x53: {  	[sflag:s3] =	ssyncadd.s32 $0xFFFFE700  }
0x54: {  	[tilespmem:s6], [sflag:$0x1] =	stream.indirect.gather [hbm4b:s5+s6], $0x8, s2, s6, $0xb8;
	[tilespmem:$0xE100] =	vst v63  }
0x55: {  	_ =	swait.ge [sflag:s7], $0xC800  }
0x56: {  	[sflag:s7] =	ssyncset.done $0x0  }
0x57: {  	[sflag:s7] =	ssyncadd.s32 $0xFFFF3800  }
0x58: {  	[hbm4b:s12+s2] =	stream.linear.scatter [tilespmem:s6], [sflag:$0x2], $0xC800, $0x38;
	[tilespmem:$0xE100] =	vst v63  }
0x59: {  	_ =	swait.ge [sflag:s3], $0xC800  }
0x5a: {  	[sflag:s3] =	ssyncset.done $0x0  }
0x5b: {  	[sflag:s3] =	ssyncadd.s32 $0xFFFF3800  }
0x5c: {  	[tilespmem:s2], [sflag:$0x2] =	stream.linear.gather [hbm4b:s13+s2], $0x1900, $0x38;
	[tilespmem:$0xE100] =	vst v63  }
0x5d: {  	_ =	swait.ge [sflag:s3], $0x1900  }
0x5e: {  	[sflag:s3] =	ssyncset.done $0x0  }
0x5f: {  	[sflag:s3] =	ssyncadd.s32 $0xFFFFE700  }
0x60: {  	[tilespmem:s6], [sflag:$0x1] =	stream.indirect.gather [hbm4b:s5+s6], $0x8, s2, s6, $0xb8;
	[tilespmem:$0xE100] =	vst v63  }
0x61: {  	_ =	swait.ge [sflag:s7], $0xC800  }
.Ltmp1:
0x62: {  	[sflag:s7] =	ssyncset.done $0x0;
	(pc) =	sbr.rel @p0 .LBB2_1-.Ltmp1, $4  }
0x63: {  	[sflag:s7] =	ssyncadd.s32 $0xFFFF3800  }
0x64: {  	[hbm4b:s14+s2] =	stream.linear.scatter [tilespmem:s6], [sflag:$0x2], $0xC800, $0x38;
	[tilespmem:$0xE100] =	vst v63  }
0x65: {  	_ =	swait.ge [sflag:s3], $0xC800  }
0x66: {  	[sflag:s3] =	ssyncset.done $0x0  }
.LBB2_2:
0x67: {  	[sflag:s3] =	ssyncadd.s32 $0xFFFF3800  }
0x68: {  	_ =	sfence.sel $0x180000  }
0x69: {  	[bflag:$0x0] =	sbarrier.arrive $0xFFFF  }
0x6a: {  	p0 =	sne.s32 s0, $0x0;
	_ =	strace $0x90000047  }
0x6b: {  	s0 =	sadd.s32 @!p0 $0x100000, s1;
	[bflag:$0x2] =	sbarrier.arrive $0xFFFF  }
0x6c: {  	[sflag:s0] =	ssyncadd.tile.s32 @!p0 $0x1;
	_ =	shalt  }
.Lfunc_end2:
_tile_overlayer_lowered:
.L_overlay_start_2:
0x6d: {  	(tag) =	ssettag $0x2  }
0x6e: {  	s0 =	rddreg [dreg:$0x0];
	s2 =	stileid.u32  }
0x6f: {  	s1 =	rddreg [dreg:$0x1];
	p0 =	sne.s32 s2, $0x0  }
0x70: {  	s3 =	rddreg [dreg:$0x2];
	[bflag:$0x3] =	sbarrier.arrive $0xFFFF;
	s2 =	simm.s32 @!p0 $0x1C02  }
0x71: {  	[timem:s3], [sflag:s2] =	dma.local @!p0 [hbm:s0], s1  }
0x72: {  	s0 =	simm.s32 @!p0 $0x2  }
0x73: {  	_ =	swait.ge @!p0 [sflag:s0], s1  }
0x74: {  	s1 =	ssub.s32 @!p0 $0x0, s1;
	[sflag:s0] =	ssyncset.done @!p0 $0x0  }
0x75: {  	[sflag:s0] =	ssyncadd.s32 @!p0 s1  }
0x76: {  	[bflag:$0x3] =	sbarrier.arrive $0xFFFF  }
0x77: {  	_ =	shalt  }

</sc_bundles>
